<compile_context>
chip_gen: v7x
topology: tpu7x:2x2x1
jax: 0.10.2.dev20260603
libtpu: 0.0.44.dev20260713+nightly
codegen_flags: <defaults>
</compile_context>

<pallas_src>
import functools

import jax
import jax.numpy as jnp
from jax import lax
from jax.experimental import pallas as pl
from jax.experimental.pallas import tpu as pltpu
from jax.experimental.pallas import tpu_sc as plsc

EMBED = 64
G = 128
HREM = 72


def _table_lin_tc(tableT, *, D, CB):
    V = tableT.shape[1]
    n = -(-V // CB)
    rows_per_blk = CB * D // 128

    def body(i_ref, o_ref):
        y = i_ref[...].T.reshape(rows_per_blk, 2, D)
        o_ref[:, :D] = y[:, 0, :]
        o_ref[:, D:] = y[:, 1, :]

    return pl.pallas_call(
        body,
        grid=(n,),
        in_specs=[pl.BlockSpec((D, CB), lambda i: (0, i))],
        out_specs=pl.BlockSpec((rows_per_blk, 128), lambda i: (i, 0)),
        out_shape=jax.ShapeDtypeStruct((V * D // 128, 128), jnp.float32),
    )(tableT)


@functools.partial(jax.jit, static_argnames=("H", "D", "NW", "K"))
def _gather_sc(xa, xc, table, *, H, D, NW, K):
    nrows = xa.shape[0]
    rows_per_w = nrows // NW
    n_chunks = rows_per_w // K
    B = nrows * H
    mesh = plsc.VectorSubcoreMesh(core_axis_name="c", subcore_axis_name="s")
    info = plsc.get_sparse_core_info()
    nc = info.num_cores

    @functools.partial(
        pl.kernel,
        mesh=mesh,
        out_type=jax.ShapeDtypeStruct((B, 2 * D), jnp.float32),
        scratch_types=[
            pltpu.VMEM((rows_per_w, G), jnp.int32),
            pltpu.VMEM((rows_per_w, G), jnp.int32),
            pltpu.VMEM((2, K * H, D), jnp.float32),
            pltpu.SemaphoreType.DMA,
            pltpu.SemaphoreType.DMA,
        ],
        compiler_params=pltpu.CompilerParams(use_tc_tiling_on_sc=False),
    )
    def k(xa_hbm, xc_hbm, table_hbm, out_hbm, ia_v, ic_v, rows_v, gsem, ssem):
        wid = lax.axis_index("s") * nc + lax.axis_index("c")
        xrow0 = wid * rows_per_w
        out0 = wid * rows_per_w * H

        pltpu.sync_copy(xa_hbm.at[pl.ds(xrow0, rows_per_w)], ia_v)
        pltpu.sync_copy(xc_hbm.at[pl.ds(xrow0, rows_per_w)], ic_v)

        def fire(i, b):
            waits = []
            for u in range(K):
                r = i * K + u
                waits.append(
                    pltpu.async_copy(
                        table_hbm.at[ia_v.at[r]],
                        rows_v.at[b, pl.ds(u * H, G)],
                        gsem,
                    )
                )
                waits.append(
                    pltpu.async_copy(
                        table_hbm.at[ic_v.at[r, pl.ds(0, HREM)]],
                        rows_v.at[b, pl.ds(u * H + G, HREM)],
                        gsem,
                    )
                )
            return waits

        def store(i, b):
            pltpu.async_copy(
                rows_v.at[b],
                out_hbm.at[pl.ds(out0 + i * K * H, K * H), pl.ds(0, D)],
                ssem,
            )

        def drain_store(i, b):
            pltpu.make_async_copy(
                rows_v.at[b],
                out_hbm.at[pl.ds(out0 + i * K * H, K * H), pl.ds(0, D)],
                ssem,
            ).wait()

        for w in fire(0, 0):
            w.wait()
        store(0, 0)

        def body(i, carry):
            b = i % 2
            gathers = fire(i, b)
            drain_store(i - 1, 1 - b)
            for w in gathers:
                w.wait()
            store(i, b)
            return carry

        lax.fori_loop(1, n_chunks, body, 0)
        drain_store(n_chunks - 1, (n_chunks - 1) % 2)

    return k(xa, xc, table)


def kernel(x, table):
    H = x.shape[1]
    xa = x[:, :G]
    xc = jnp.pad(x[:, G:], ((0, 0), (0, G - (H - G))))
    tlin = _table_lin_tc(table.T, D=EMBED, CB=6400)
    tbl = tlin.reshape(table.shape[0], EMBED)
    out = _gather_sc(xa, xc, tbl, H=H, D=EMBED, NW=32, K=2)
    return out.reshape(x.shape[0], H, 2 * EMBED)[:, :, :EMBED]

# --- scband reference (transcript-rebuilt; emitter-appended) ---
"""Pipeline reference for scband-transformer-embedding-44143673868912 (READ-ONLY COPY).

The authoritative reference and input builder live on the scoring server;
editing this copy changes nothing except your own understanding.
"""

import jax, jax.numpy as jnp
import numpy as np

VOCAB = 1000000
EMBED_DIM = 64
PAD_IDX = 0
BATCH = 4096
HIST = 200


def setup_inputs(seed: int = 0) -> dict:
    key = jax.random.key(seed)
    k_idx, k_tab = jax.random.split(key)
    x = jax.random.randint(k_idx, (BATCH, HIST), 0, VOCAB, dtype=jnp.int32)
    table = jax.random.normal(k_tab, (VOCAB, EMBED_DIM), dtype=jnp.float32)
    # nn.Embedding with padding_idx zero-initializes the padding row
    table = table.at[PAD_IDX].set(0.0)
    return {"x": x, "table": table}


def reference(x, table):
    # TransformerEmbedding.forward: x = self.embedding(x)
    return jnp.take(table, x, axis=0)

if __name__ == "__main__":
    import jax
    _d = setup_inputs()
    print(jax.jit(kernel)(*tuple(_d.values())))

</pallas_src>

<mosaic_0001>
#map = affine_map<(d0, d1) -> (0, 0)>
module attributes {stable_mosaic.version = 14 : i64} {
  func.func @k(%arg0: i32, %arg1: i32, %arg2: memref<4096x128xi32, #tpu.memory_space<hbm>>, %arg3: memref<4096x128xi32, #tpu.memory_space<hbm>>, %arg4: memref<1000000x64xf32, #tpu.memory_space<hbm>>, %arg5: memref<819200x128xf32, #tpu.memory_space<hbm>>, %arg6: memref<128x128xi32, #tpu.memory_space<vmem>>, %arg7: memref<128x128xi32, #tpu.memory_space<vmem>>, %arg8: memref<2x400x64xf32, #tpu.memory_space<vmem>>, %arg9: memref<!tpu.dma_semaphore, #tpu.memory_space<semaphore_mem>>, %arg10: memref<!tpu.dma_semaphore, #tpu.memory_space<semaphore_mem>>) attributes {dimension_semantics = [#tpu.dimension_semantics<core_parallel>, #tpu.dimension_semantics<subcore_parallel>], iteration_bounds = array<i64: 2, 16>, scalar_prefetch = 0 : i64, scratch_operands = 5 : i64, tpu.core_type = #tpu.core_type<sc_vector_subcore>, window_params = [{transform_indices = #map}, {transform_indices = #map}, {transform_indices = #map}, {transform_indices = #map}]} {
    %mul3A = arith.constant 2 : i32
    %mul3A_0 = arith.muli %arg1, %mul3A : i32
    %add3A = arith.addi %mul3A_0, %arg0 : i32
    %mul3A_1 = arith.constant 128 : i32
    %mul3A_2 = arith.muli %add3A, %mul3A_1 : i32
    %mul3A_3 = arith.constant 128 : i32
    %mul3A_4 = arith.muli %add3A, %mul3A_3 : i32
    %mul3A_5 = arith.constant 200 : i32
    %mul3A_6 = arith.muli %mul3A_4, %mul3A_5 : i32
    "tpu.region"() ({
      %run_scoped3A = tpu.sem_alloc : memref<!tpu.dma_semaphore, #tpu.memory_space<semaphore_mem>>
      %dma_start3A_136 = arith.constant 0 : i32
      %dma_start3A_137 = tpu.memref_slice %arg2[%mul3A_2, %dma_start3A_136] : memref<4096x128xi32, #tpu.memory_space<hbm>> -> memref<128x128xi32, #tpu.memory_space<hbm>>
      %dma_start3A_138 = arith.constant 0 : i32
      %dma_start3A_139 = tpu.memref_slice %arg2[%mul3A_2, %dma_start3A_138] : memref<4096x128xi32, #tpu.memory_space<hbm>> -> memref<128x128xi32, #tpu.memory_space<hbm>>
      tpu.enqueue_dma source(%dma_start3A_139 : memref<128x128xi32, #tpu.memory_space<hbm>>) target(%arg6 : memref<128x128xi32, #tpu.memory_space<vmem>>) target_semaphore(%run_scoped3A : memref<!tpu.dma_semaphore, #tpu.memory_space<semaphore_mem>>)
      %dma_wait3A_140 = arith.constant 0 : i32
      %dma_wait3A_141 = tpu.memref_slice %arg2[%mul3A_2, %dma_wait3A_140] : memref<4096x128xi32, #tpu.memory_space<hbm>> -> memref<128x128xi32, #tpu.memory_space<hbm>>
      %dma_wait3A_142 = arith.constant 0 : i32
      %dma_wait3A_143 = tpu.memref_slice %arg2[%mul3A_2, %dma_wait3A_142] : memref<4096x128xi32, #tpu.memory_space<hbm>> -> memref<128x128xi32, #tpu.memory_space<hbm>>
      tpu.wait_dma2 semaphore(%run_scoped3A : memref<!tpu.dma_semaphore, #tpu.memory_space<semaphore_mem>>) src(%dma_wait3A_143 : memref<128x128xi32, #tpu.memory_space<hbm>>) dst(%arg6 : memref<128x128xi32, #tpu.memory_space<vmem>>)
      tpu.yield
    }) : () -> ()
    "tpu.region"() ({
      %run_scoped3A = tpu.sem_alloc : memref<!tpu.dma_semaphore, #tpu.memory_space<semaphore_mem>>
      %dma_start3A_136 = arith.constant 0 : i32
      %dma_start3A_137 = tpu.memref_slice %arg3[%mul3A_2, %dma_start3A_136] : memref<4096x128xi32, #tpu.memory_space<hbm>> -> memref<128x128xi32, #tpu.memory_space<hbm>>
      %dma_start3A_138 = arith.constant 0 : i32
      %dma_start3A_139 = tpu.memref_slice %arg3[%mul3A_2, %dma_start3A_138] : memref<4096x128xi32, #tpu.memory_space<hbm>> -> memref<128x128xi32, #tpu.memory_space<hbm>>
      tpu.enqueue_dma source(%dma_start3A_139 : memref<128x128xi32, #tpu.memory_space<hbm>>) target(%arg7 : memref<128x128xi32, #tpu.memory_space<vmem>>) target_semaphore(%run_scoped3A : memref<!tpu.dma_semaphore, #tpu.memory_space<semaphore_mem>>)
      %dma_wait3A_140 = arith.constant 0 : i32
      %dma_wait3A_141 = tpu.memref_slice %arg3[%mul3A_2, %dma_wait3A_140] : memref<4096x128xi32, #tpu.memory_space<hbm>> -> memref<128x128xi32, #tpu.memory_space<hbm>>
      %dma_wait3A_142 = arith.constant 0 : i32
      %dma_wait3A_143 = tpu.memref_slice %arg3[%mul3A_2, %dma_wait3A_142] : memref<4096x128xi32, #tpu.memory_space<hbm>> -> memref<128x128xi32, #tpu.memory_space<hbm>>
      tpu.wait_dma2 semaphore(%run_scoped3A : memref<!tpu.dma_semaphore, #tpu.memory_space<semaphore_mem>>) src(%dma_wait3A_143 : memref<128x128xi32, #tpu.memory_space<hbm>>) dst(%arg7 : memref<128x128xi32, #tpu.memory_space<vmem>>)
      tpu.yield
    }) : () -> ()
    %dma_start3A = arith.constant 0 : i32
    %dma_start3A_7 = arith.constant 0 : i32
    %dma_start3A_8 = arith.constant 0 : i32
    %dma_start3A_9 = arith.constant 0 : i32
    %dma_start3A_10 = tpu.memref_slice %arg8[%dma_start3A_7, %dma_start3A_8, %dma_start3A_9] : memref<2x400x64xf32, #tpu.memory_space<vmem>> -> memref<1x128x64xf32, #tpu.memory_space<vmem>>
    %dma_start3A_11 = tpu.memref_squeeze %dma_start3A_10 : memref<1x128x64xf32, #tpu.memory_space<vmem>> -> memref<128x64xf32, #tpu.memory_space<vmem>>
    %dma_start3A_12 = arith.constant 0 : i32
    %dma_start3A_13 = tpu.memref_slice %arg6[%dma_start3A, %dma_start3A_12] : memref<128x128xi32, #tpu.memory_space<vmem>> -> memref<1x128xi32, #tpu.memory_space<vmem>>
    %dma_start3A_14 = tpu.memref_squeeze %dma_start3A_13 : memref<1x128xi32, #tpu.memory_space<vmem>> -> memref<128xi32, #tpu.memory_space<vmem>>
    %dma_start3A_15 = arith.constant 0 : i32
    %dma_start3A_16 = arith.constant 0 : i32
    %dma_start3A_17 = tpu.memref_slice %arg4[%dma_start3A_15, %dma_start3A_16] : memref<1000000x64xf32, #tpu.memory_space<hbm>> -> memref<1000000x64xf32, #tpu.memory_space<hbm>>
    tpu.enqueue_indirect_dma source(%dma_start3A_17 : memref<1000000x64xf32, #tpu.memory_space<hbm>>) target(%dma_start3A_11 : memref<128x64xf32, #tpu.memory_space<vmem>>) offsets(%dma_start3A_14 : memref<128xi32, #tpu.memory_space<vmem>>) semaphore(%arg9 : memref<!tpu.dma_semaphore, #tpu.memory_space<semaphore_mem>>)
    %dma_start3A_18 = arith.constant 0 : i32
    %dma_start3A_19 = arith.constant 0 : i32
    %dma_start3A_20 = arith.constant 128 : i32
    %dma_start3A_21 = arith.constant 0 : i32
    %dma_start3A_22 = tpu.memref_slice %arg8[%dma_start3A_19, %dma_start3A_20, %dma_start3A_21] : memref<2x400x64xf32, #tpu.memory_space<vmem>> -> memref<1x72x64xf32, #tpu.memory_space<vmem>>
    %dma_start3A_23 = tpu.memref_squeeze %dma_start3A_22 : memref<1x72x64xf32, #tpu.memory_space<vmem>> -> memref<72x64xf32, #tpu.memory_space<vmem>>
    %dma_start3A_24 = arith.constant 0 : i32
    %dma_start3A_25 = tpu.memref_slice %arg7[%dma_start3A_18, %dma_start3A_24] : memref<128x128xi32, #tpu.memory_space<vmem>> -> memref<1x72xi32, #tpu.memory_space<vmem>>
    %dma_start3A_26 = tpu.memref_squeeze %dma_start3A_25 : memref<1x72xi32, #tpu.memory_space<vmem>> -> memref<72xi32, #tpu.memory_space<vmem>>
    %dma_start3A_27 = arith.constant 0 : i32
    %dma_start3A_28 = arith.constant 0 : i32
    %dma_start3A_29 = tpu.memref_slice %arg4[%dma_start3A_27, %dma_start3A_28] : memref<1000000x64xf32, #tpu.memory_space<hbm>> -> memref<1000000x64xf32, #tpu.memory_space<hbm>>
    tpu.enqueue_indirect_dma source(%dma_start3A_29 : memref<1000000x64xf32, #tpu.memory_space<hbm>>) target(%dma_start3A_23 : memref<72x64xf32, #tpu.memory_space<vmem>>) offsets(%dma_start3A_26 : memref<72xi32, #tpu.memory_space<vmem>>) semaphore(%arg9 : memref<!tpu.dma_semaphore, #tpu.memory_space<semaphore_mem>>)
    %dma_start3A_30 = arith.constant 1 : i32
    %dma_start3A_31 = arith.constant 0 : i32
    %dma_start3A_32 = arith.constant 200 : i32
    %dma_start3A_33 = arith.constant 0 : i32
    %dma_start3A_34 = tpu.memref_slice %arg8[%dma_start3A_31, %dma_start3A_32, %dma_start3A_33] : memref<2x400x64xf32, #tpu.memory_space<vmem>> -> memref<1x128x64xf32, #tpu.memory_space<vmem>>
    %dma_start3A_35 = tpu.memref_squeeze %dma_start3A_34 : memref<1x128x64xf32, #tpu.memory_space<vmem>> -> memref<128x64xf32, #tpu.memory_space<vmem>>
    %dma_start3A_36 = arith.constant 0 : i32
    %dma_start3A_37 = tpu.memref_slice %arg6[%dma_start3A_30, %dma_start3A_36] : memref<128x128xi32, #tpu.memory_space<vmem>> -> memref<1x128xi32, #tpu.memory_space<vmem>>
    %dma_start3A_38 = tpu.memref_squeeze %dma_start3A_37 : memref<1x128xi32, #tpu.memory_space<vmem>> -> memref<128xi32, #tpu.memory_space<vmem>>
    %dma_start3A_39 = arith.constant 0 : i32
    %dma_start3A_40 = arith.constant 0 : i32
    %dma_start3A_41 = tpu.memref_slice %arg4[%dma_start3A_39, %dma_start3A_40] : memref<1000000x64xf32, #tpu.memory_space<hbm>> -> memref<1000000x64xf32, #tpu.memory_space<hbm>>
    tpu.enqueue_indirect_dma source(%dma_start3A_41 : memref<1000000x64xf32, #tpu.memory_space<hbm>>) target(%dma_start3A_35 : memref<128x64xf32, #tpu.memory_space<vmem>>) offsets(%dma_start3A_38 : memref<128xi32, #tpu.memory_space<vmem>>) semaphore(%arg9 : memref<!tpu.dma_semaphore, #tpu.memory_space<semaphore_mem>>)
    %dma_start3A_42 = arith.constant 1 : i32
    %dma_start3A_43 = arith.constant 0 : i32
    %dma_start3A_44 = arith.constant 328 : i32
    %dma_start3A_45 = arith.constant 0 : i32
    %dma_start3A_46 = tpu.memref_slice %arg8[%dma_start3A_43, %dma_start3A_44, %dma_start3A_45] : memref<2x400x64xf32, #tpu.memory_space<vmem>> -> memref<1x72x64xf32, #tpu.memory_space<vmem>>
    %dma_start3A_47 = tpu.memref_squeeze %dma_start3A_46 : memref<1x72x64xf32, #tpu.memory_space<vmem>> -> memref<72x64xf32, #tpu.memory_space<vmem>>
    %dma_start3A_48 = arith.constant 0 : i32
    %dma_start3A_49 = tpu.memref_slice %arg7[%dma_start3A_42, %dma_start3A_48] : memref<128x128xi32, #tpu.memory_space<vmem>> -> memref<1x72xi32, #tpu.memory_space<vmem>>
    %dma_start3A_50 = tpu.memref_squeeze %dma_start3A_49 : memref<1x72xi32, #tpu.memory_space<vmem>> -> memref<72xi32, #tpu.memory_space<vmem>>
    %dma_start3A_51 = arith.constant 0 : i32
    %dma_start3A_52 = arith.constant 0 : i32
    %dma_start3A_53 = tpu.memref_slice %arg4[%dma_start3A_51, %dma_start3A_52] : memref<1000000x64xf32, #tpu.memory_space<hbm>> -> memref<1000000x64xf32, #tpu.memory_space<hbm>>
    tpu.enqueue_indirect_dma source(%dma_start3A_53 : memref<1000000x64xf32, #tpu.memory_space<hbm>>) target(%dma_start3A_47 : memref<72x64xf32, #tpu.memory_space<vmem>>) offsets(%dma_start3A_50 : memref<72xi32, #tpu.memory_space<vmem>>) semaphore(%arg9 : memref<!tpu.dma_semaphore, #tpu.memory_space<semaphore_mem>>)
    %dma_wait3A = arith.constant 0 : i32
    %dma_wait3A_54 = arith.constant 0 : i32
    %dma_wait3A_55 = arith.constant 0 : i32
    %dma_wait3A_56 = arith.constant 0 : i32
    %dma_wait3A_57 = tpu.memref_slice %arg8[%dma_wait3A_54, %dma_wait3A_55, %dma_wait3A_56] : memref<2x400x64xf32, #tpu.memory_space<vmem>> -> memref<1x128x64xf32, #tpu.memory_space<vmem>>
    %dma_wait3A_58 = tpu.memref_squeeze %dma_wait3A_57 : memref<1x128x64xf32, #tpu.memory_space<vmem>> -> memref<128x64xf32, #tpu.memory_space<vmem>>
    %dma_wait3A_59 = arith.constant 0 : i32
    %dma_wait3A_60 = tpu.memref_slice %arg6[%dma_wait3A, %dma_wait3A_59] : memref<128x128xi32, #tpu.memory_space<vmem>> -> memref<1x128xi32, #tpu.memory_space<vmem>>
    %dma_wait3A_61 = tpu.memref_squeeze %dma_wait3A_60 : memref<1x128xi32, #tpu.memory_space<vmem>> -> memref<128xi32, #tpu.memory_space<vmem>>
    %dma_wait3A_62 = arith.constant 0 : i32
    %dma_wait3A_63 = arith.constant 0 : i32
    %dma_wait3A_64 = tpu.memref_slice %arg4[%dma_wait3A_62, %dma_wait3A_63] : memref<1000000x64xf32, #tpu.memory_space<hbm>> -> memref<1000000x64xf32, #tpu.memory_space<hbm>>
    tpu.wait_indirect_dma semaphore(%arg9 : memref<!tpu.dma_semaphore, #tpu.memory_space<semaphore_mem>>) src(%dma_wait3A_64 : memref<1000000x64xf32, #tpu.memory_space<hbm>>) dst(%dma_wait3A_58 : memref<128x64xf32, #tpu.memory_space<vmem>>)
    %dma_wait3A_65 = arith.constant 0 : i32
    %dma_wait3A_66 = arith.constant 0 : i32
    %dma_wait3A_67 = arith.constant 128 : i32
    %dma_wait3A_68 = arith.constant 0 : i32
    %dma_wait3A_69 = tpu.memref_slice %arg8[%dma_wait3A_66, %dma_wait3A_67, %dma_wait3A_68] : memref<2x400x64xf32, #tpu.memory_space<vmem>> -> memref<1x72x64xf32, #tpu.memory_space<vmem>>
    %dma_wait3A_70 = tpu.memref_squeeze %dma_wait3A_69 : memref<1x72x64xf32, #tpu.memory_space<vmem>> -> memref<72x64xf32, #tpu.memory_space<vmem>>
    %dma_wait3A_71 = arith.constant 0 : i32
    %dma_wait3A_72 = tpu.memref_slice %arg7[%dma_wait3A_65, %dma_wait3A_71] : memref<128x128xi32, #tpu.memory_space<vmem>> -> memref<1x72xi32, #tpu.memory_space<vmem>>
    %dma_wait3A_73 = tpu.memref_squeeze %dma_wait3A_72 : memref<1x72xi32, #tpu.memory_space<vmem>> -> memref<72xi32, #tpu.memory_space<vmem>>
    %dma_wait3A_74 = arith.constant 0 : i32
    %dma_wait3A_75 = arith.constant 0 : i32
    %dma_wait3A_76 = tpu.memref_slice %arg4[%dma_wait3A_74, %dma_wait3A_75] : memref<1000000x64xf32, #tpu.memory_space<hbm>> -> memref<1000000x64xf32, #tpu.memory_space<hbm>>
    tpu.wait_indirect_dma semaphore(%arg9 : memref<!tpu.dma_semaphore, #tpu.memory_space<semaphore_mem>>) src(%dma_wait3A_76 : memref<1000000x64xf32, #tpu.memory_space<hbm>>) dst(%dma_wait3A_70 : memref<72x64xf32, #tpu.memory_space<vmem>>)
    %dma_wait3A_77 = arith.constant 1 : i32
    %dma_wait3A_78 = arith.constant 0 : i32
    %dma_wait3A_79 = arith.constant 200 : i32
    %dma_wait3A_80 = arith.constant 0 : i32
    %dma_wait3A_81 = tpu.memref_slice %arg8[%dma_wait3A_78, %dma_wait3A_79, %dma_wait3A_80] : memref<2x400x64xf32, #tpu.memory_space<vmem>> -> memref<1x128x64xf32, #tpu.memory_space<vmem>>
    %dma_wait3A_82 = tpu.memref_squeeze %dma_wait3A_81 : memref<1x128x64xf32, #tpu.memory_space<vmem>> -> memref<128x64xf32, #tpu.memory_space<vmem>>
    %dma_wait3A_83 = arith.constant 0 : i32
    %dma_wait3A_84 = tpu.memref_slice %arg6[%dma_wait3A_77, %dma_wait3A_83] : memref<128x128xi32, #tpu.memory_space<vmem>> -> memref<1x128xi32, #tpu.memory_space<vmem>>
    %dma_wait3A_85 = tpu.memref_squeeze %dma_wait3A_84 : memref<1x128xi32, #tpu.memory_space<vmem>> -> memref<128xi32, #tpu.memory_space<vmem>>
    %dma_wait3A_86 = arith.constant 0 : i32
    %dma_wait3A_87 = arith.constant 0 : i32
    %dma_wait3A_88 = tpu.memref_slice %arg4[%dma_wait3A_86, %dma_wait3A_87] : memref<1000000x64xf32, #tpu.memory_space<hbm>> -> memref<1000000x64xf32, #tpu.memory_space<hbm>>
    tpu.wait_indirect_dma semaphore(%arg9 : memref<!tpu.dma_semaphore, #tpu.memory_space<semaphore_mem>>) src(%dma_wait3A_88 : memref<1000000x64xf32, #tpu.memory_space<hbm>>) dst(%dma_wait3A_82 : memref<128x64xf32, #tpu.memory_space<vmem>>)
    %dma_wait3A_89 = arith.constant 1 : i32
    %dma_wait3A_90 = arith.constant 0 : i32
    %dma_wait3A_91 = arith.constant 328 : i32
    %dma_wait3A_92 = arith.constant 0 : i32
    %dma_wait3A_93 = tpu.memref_slice %arg8[%dma_wait3A_90, %dma_wait3A_91, %dma_wait3A_92] : memref<2x400x64xf32, #tpu.memory_space<vmem>> -> memref<1x72x64xf32, #tpu.memory_space<vmem>>
    %dma_wait3A_94 = tpu.memref_squeeze %dma_wait3A_93 : memref<1x72x64xf32, #tpu.memory_space<vmem>> -> memref<72x64xf32, #tpu.memory_space<vmem>>
    %dma_wait3A_95 = arith.constant 0 : i32
    %dma_wait3A_96 = tpu.memref_slice %arg7[%dma_wait3A_89, %dma_wait3A_95] : memref<128x128xi32, #tpu.memory_space<vmem>> -> memref<1x72xi32, #tpu.memory_space<vmem>>
    %dma_wait3A_97 = tpu.memref_squeeze %dma_wait3A_96 : memref<1x72xi32, #tpu.memory_space<vmem>> -> memref<72xi32, #tpu.memory_space<vmem>>
    %dma_wait3A_98 = arith.constant 0 : i32
    %dma_wait3A_99 = arith.constant 0 : i32
    %dma_wait3A_100 = tpu.memref_slice %arg4[%dma_wait3A_98, %dma_wait3A_99] : memref<1000000x64xf32, #tpu.memory_space<hbm>> -> memref<1000000x64xf32, #tpu.memory_space<hbm>>
    tpu.wait_indirect_dma semaphore(%arg9 : memref<!tpu.dma_semaphore, #tpu.memory_space<semaphore_mem>>) src(%dma_wait3A_100 : memref<1000000x64xf32, #tpu.memory_space<hbm>>) dst(%dma_wait3A_94 : memref<72x64xf32, #tpu.memory_space<vmem>>)
    %add3A_101 = arith.constant 0 : i32
    %add3A_102 = arith.addi %mul3A_6, %add3A_101 : i32
    %dma_start3A_103 = arith.constant 0 : i32
    %dma_start3A_104 = arith.constant 0 : i32
    %dma_start3A_105 = arith.constant 0 : i32
    %dma_start3A_106 = tpu.memref_slice %arg8[%dma_start3A_103, %dma_start3A_104, %dma_start3A_105] : memref<2x400x64xf32, #tpu.memory_space<vmem>> -> memref<1x400x64xf32, #tpu.memory_space<vmem>>
    %dma_start3A_107 = tpu.memref_squeeze %dma_start3A_106 : memref<1x400x64xf32, #tpu.memory_space<vmem>> -> memref<400x64xf32, #tpu.memory_space<vmem>>
    %dma_start3A_108 = arith.constant 0 : i32
    %dma_start3A_109 = tpu.memref_slice %arg5[%add3A_102, %dma_start3A_108] : memref<819200x128xf32, #tpu.memory_space<hbm>> -> memref<400x64xf32, #tpu.memory_space<hbm>>
    %dma_start3A_110 = arith.constant 0 : i32
    %dma_start3A_111 = tpu.memref_slice %arg5[%add3A_102, %dma_start3A_110] : memref<819200x128xf32, #tpu.memory_space<hbm>> -> memref<400x64xf32, #tpu.memory_space<hbm>>
    %dma_start3A_112 = arith.constant 0 : i32
    %dma_start3A_113 = arith.constant 0 : i32
    %dma_start3A_114 = tpu.memref_slice %arg8[%dma_start3A_103, %dma_start3A_112, %dma_start3A_113] : memref<2x400x64xf32, #tpu.memory_space<vmem>> -> memref<1x400x64xf32, #tpu.memory_space<vmem>>
    %dma_start3A_115 = tpu.memref_squeeze %dma_start3A_114 : memref<1x400x64xf32, #tpu.memory_space<vmem>> -> memref<400x64xf32, #tpu.memory_space<vmem>>
    tpu.enqueue_dma source(%dma_start3A_115 : memref<400x64xf32, #tpu.memory_space<vmem>>) target(%dma_start3A_111 : memref<400x64xf32, #tpu.memory_space<hbm>>) target_semaphore(%arg10 : memref<!tpu.dma_semaphore, #tpu.memory_space<semaphore_mem>>)
    %scan3A = arith.constant 0 : i32
    %scan3A_116 = arith.constant 1 : i32
    %scan3A_117 = arith.constant 63 : i32
    %scan3A_118 = arith.addi %scan3A_116, %scan3A_117 : i32
    %scan3A_119 = arith.constant 1 : i32
    scf.for %scan3A_136 = %scan3A_116 to %scan3A_118 step %scan3A_119  : i32 {
      %jit3A = arith.constant 2 : i32
      %eq3A = arith.constant 0 : i32
      %eq3A_137 = arith.cmpi eq, %jit3A, %eq3A : i32
      %jit3A_138 = arith.constant 1 : i32
      %select_n3A = arith.select %eq3A_137, %jit3A_138, %jit3A : i32
      %rem3A = arith.remsi %scan3A_136, %select_n3A : i32
      %ne3A = arith.constant 0 : i32
      %ne3A_139 = arith.cmpi ne, %rem3A, %ne3A : i32
      %lt3A = arith.constant 0 : i32
      %lt3A_140 = arith.cmpi slt, %rem3A, %lt3A : i32
      %lt3A_141 = arith.constant 0 : i32
      %lt3A_142 = arith.cmpi slt, %select_n3A, %lt3A_141 : i32
      %ne3A_143 = arith.xori %lt3A_140, %lt3A_142 : i1
      %and3A = arith.andi %ne3A_143, %ne3A_139 : i1
      %add3A_144 = arith.addi %rem3A, %select_n3A : i32
      %select_n3A_145 = arith.select %and3A, %add3A_144, %rem3A : i32
      %mul3A_146 = arith.constant 2 : i32
      %mul3A_147 = arith.muli %scan3A_136, %mul3A_146 : i32
      %add3A_148 = arith.constant 0 : i32
      %add3A_149 = arith.addi %mul3A_147, %add3A_148 : i32
      %dma_start3A_150 = arith.constant 0 : i32
      %dma_start3A_151 = arith.constant 0 : i32
      %dma_start3A_152 = tpu.memref_slice %arg8[%select_n3A_145, %dma_start3A_150, %dma_start3A_151] : memref<2x400x64xf32, #tpu.memory_space<vmem>> -> memref<1x128x64xf32, #tpu.memory_space<vmem>>
      %dma_start3A_153 = tpu.memref_squeeze %dma_start3A_152 : memref<1x128x64xf32, #tpu.memory_space<vmem>> -> memref<128x64xf32, #tpu.memory_space<vmem>>
      %dma_start3A_154 = arith.constant 0 : i32
      %dma_start3A_155 = tpu.memref_slice %arg6[%add3A_149, %dma_start3A_154] : memref<128x128xi32, #tpu.memory_space<vmem>> -> memref<1x128xi32, #tpu.memory_space<vmem>>
      %dma_start3A_156 = tpu.memref_squeeze %dma_start3A_155 : memref<1x128xi32, #tpu.memory_space<vmem>> -> memref<128xi32, #tpu.memory_space<vmem>>
      %dma_start3A_157 = arith.constant 0 : i32
      %dma_start3A_158 = arith.constant 0 : i32
      %dma_start3A_159 = tpu.memref_slice %arg4[%dma_start3A_157, %dma_start3A_158] : memref<1000000x64xf32, #tpu.memory_space<hbm>> -> memref<1000000x64xf32, #tpu.memory_space<hbm>>
      tpu.enqueue_indirect_dma source(%dma_start3A_159 : memref<1000000x64xf32, #tpu.memory_space<hbm>>) target(%dma_start3A_153 : memref<128x64xf32, #tpu.memory_space<vmem>>) offsets(%dma_start3A_156 : memref<128xi32, #tpu.memory_space<vmem>>) semaphore(%arg9 : memref<!tpu.dma_semaphore, #tpu.memory_space<semaphore_mem>>)
      %dma_start3A_160 = arith.constant 128 : i32
      %dma_start3A_161 = arith.constant 0 : i32
      %dma_start3A_162 = tpu.memref_slice %arg8[%select_n3A_145, %dma_start3A_160, %dma_start3A_161] : memref<2x400x64xf32, #tpu.memory_space<vmem>> -> memref<1x72x64xf32, #tpu.memory_space<vmem>>
      %dma_start3A_163 = tpu.memref_squeeze %dma_start3A_162 : memref<1x72x64xf32, #tpu.memory_space<vmem>> -> memref<72x64xf32, #tpu.memory_space<vmem>>
      %dma_start3A_164 = arith.constant 0 : i32
      %dma_start3A_165 = tpu.memref_slice %arg7[%add3A_149, %dma_start3A_164] : memref<128x128xi32, #tpu.memory_space<vmem>> -> memref<1x72xi32, #tpu.memory_space<vmem>>
      %dma_start3A_166 = tpu.memref_squeeze %dma_start3A_165 : memref<1x72xi32, #tpu.memory_space<vmem>> -> memref<72xi32, #tpu.memory_space<vmem>>
      %dma_start3A_167 = arith.constant 0 : i32
      %dma_start3A_168 = arith.constant 0 : i32
      %dma_start3A_169 = tpu.memref_slice %arg4[%dma_start3A_167, %dma_start3A_168] : memref<1000000x64xf32, #tpu.memory_space<hbm>> -> memref<1000000x64xf32, #tpu.memory_space<hbm>>
      tpu.enqueue_indirect_dma source(%dma_start3A_169 : memref<1000000x64xf32, #tpu.memory_space<hbm>>) target(%dma_start3A_163 : memref<72x64xf32, #tpu.memory_space<vmem>>) offsets(%dma_start3A_166 : memref<72xi32, #tpu.memory_space<vmem>>) semaphore(%arg9 : memref<!tpu.dma_semaphore, #tpu.memory_space<semaphore_mem>>)
      %mul3A_170 = arith.constant 2 : i32
      %mul3A_171 = arith.muli %scan3A_136, %mul3A_170 : i32
      %add3A_172 = arith.constant 1 : i32
      %add3A_173 = arith.addi %mul3A_171, %add3A_172 : i32
      %dma_start3A_174 = arith.constant 200 : i32
      %dma_start3A_175 = arith.constant 0 : i32
      %dma_start3A_176 = tpu.memref_slice %arg8[%select_n3A_145, %dma_start3A_174, %dma_start3A_175] : memref<2x400x64xf32, #tpu.memory_space<vmem>> -> memref<1x128x64xf32, #tpu.memory_space<vmem>>
      %dma_start3A_177 = tpu.memref_squeeze %dma_start3A_176 : memref<1x128x64xf32, #tpu.memory_space<vmem>> -> memref<128x64xf32, #tpu.memory_space<vmem>>
      %dma_start3A_178 = arith.constant 0 : i32
      %dma_start3A_179 = tpu.memref_slice %arg6[%add3A_173, %dma_start3A_178] : memref<128x128xi32, #tpu.memory_space<vmem>> -> memref<1x128xi32, #tpu.memory_space<vmem>>
      %dma_start3A_180 = tpu.memref_squeeze %dma_start3A_179 : memref<1x128xi32, #tpu.memory_space<vmem>> -> memref<128xi32, #tpu.memory_space<vmem>>
      %dma_start3A_181 = arith.constant 0 : i32
      %dma_start3A_182 = arith.constant 0 : i32
      %dma_start3A_183 = tpu.memref_slice %arg4[%dma_start3A_181, %dma_start3A_182] : memref<1000000x64xf32, #tpu.memory_space<hbm>> -> memref<1000000x64xf32, #tpu.memory_space<hbm>>
      tpu.enqueue_indirect_dma source(%dma_start3A_183 : memref<1000000x64xf32, #tpu.memory_space<hbm>>) target(%dma_start3A_177 : memref<128x64xf32, #tpu.memory_space<vmem>>) offsets(%dma_start3A_180 : memref<128xi32, #tpu.memory_space<vmem>>) semaphore(%arg9 : memref<!tpu.dma_semaphore, #tpu.memory_space<semaphore_mem>>)
      %dma_start3A_184 = arith.constant 328 : i32
      %dma_start3A_185 = arith.constant 0 : i32
      %dma_start3A_186 = tpu.memref_slice %arg8[%select_n3A_145, %dma_start3A_184, %dma_start3A_185] : memref<2x400x64xf32, #tpu.memory_space<vmem>> -> memref<1x72x64xf32, #tpu.memory_space<vmem>>
      %dma_start3A_187 = tpu.memref_squeeze %dma_start3A_186 : memref<1x72x64xf32, #tpu.memory_space<vmem>> -> memref<72x64xf32, #tpu.memory_space<vmem>>
      %dma_start3A_188 = arith.constant 0 : i32
      %dma_start3A_189 = tpu.memref_slice %arg7[%add3A_173, %dma_start3A_188] : memref<128x128xi32, #tpu.memory_space<vmem>> -> memref<1x72xi32, #tpu.memory_space<vmem>>
      %dma_start3A_190 = tpu.memref_squeeze %dma_start3A_189 : memref<1x72xi32, #tpu.memory_space<vmem>> -> memref<72xi32, #tpu.memory_space<vmem>>
      %dma_start3A_191 = arith.constant 0 : i32
      %dma_start3A_192 = arith.constant 0 : i32
      %dma_start3A_193 = tpu.memref_slice %arg4[%dma_start3A_191, %dma_start3A_192] : memref<1000000x64xf32, #tpu.memory_space<hbm>> -> memref<1000000x64xf32, #tpu.memory_space<hbm>>
      tpu.enqueue_indirect_dma source(%dma_start3A_193 : memref<1000000x64xf32, #tpu.memory_space<hbm>>) target(%dma_start3A_187 : memref<72x64xf32, #tpu.memory_space<vmem>>) offsets(%dma_start3A_190 : memref<72xi32, #tpu.memory_space<vmem>>) semaphore(%arg9 : memref<!tpu.dma_semaphore, #tpu.memory_space<semaphore_mem>>)
      %sub3A = arith.constant 1 : i32
      %sub3A_194 = arith.subi %scan3A_136, %sub3A : i32
      %sub3A_195 = arith.constant 1 : i32
      %sub3A_196 = arith.subi %sub3A_195, %select_n3A_145 : i32
      %mul3A_197 = arith.constant 2 : i32
      %mul3A_198 = arith.muli %sub3A_194, %mul3A_197 : i32
      %mul3A_199 = arith.constant 200 : i32
      %mul3A_200 = arith.muli %mul3A_198, %mul3A_199 : i32
      %add3A_201 = arith.addi %mul3A_6, %mul3A_200 : i32
      %dma_wait3A_202 = arith.constant 0 : i32
      %dma_wait3A_203 = arith.constant 0 : i32
      %dma_wait3A_204 = tpu.memref_slice %arg8[%sub3A_196, %dma_wait3A_202, %dma_wait3A_203] : memref<2x400x64xf32, #tpu.memory_space<vmem>> -> memref<1x400x64xf32, #tpu.memory_space<vmem>>
      %dma_wait3A_205 = tpu.memref_squeeze %dma_wait3A_204 : memref<1x400x64xf32, #tpu.memory_space<vmem>> -> memref<400x64xf32, #tpu.memory_space<vmem>>
      %dma_wait3A_206 = arith.constant 0 : i32
      %dma_wait3A_207 = tpu.memref_slice %arg5[%add3A_201, %dma_wait3A_206] : memref<819200x128xf32, #tpu.memory_space<hbm>> -> memref<400x64xf32, #tpu.memory_space<hbm>>
      %dma_wait3A_208 = arith.constant 0 : i32
      %dma_wait3A_209 = tpu.memref_slice %arg5[%add3A_201, %dma_wait3A_208] : memref<819200x128xf32, #tpu.memory_space<hbm>> -> memref<400x64xf32, #tpu.memory_space<hbm>>
      %dma_wait3A_210 = arith.constant 0 : i32
      %dma_wait3A_211 = arith.constant 0 : i32
      %dma_wait3A_212 = tpu.memref_slice %arg8[%sub3A_196, %dma_wait3A_210, %dma_wait3A_211] : memref<2x400x64xf32, #tpu.memory_space<vmem>> -> memref<1x400x64xf32, #tpu.memory_space<vmem>>
      %dma_wait3A_213 = tpu.memref_squeeze %dma_wait3A_212 : memref<1x400x64xf32, #tpu.memory_space<vmem>> -> memref<400x64xf32, #tpu.memory_space<vmem>>
      tpu.wait_dma2 semaphore(%arg10 : memref<!tpu.dma_semaphore, #tpu.memory_space<semaphore_mem>>) src(%dma_wait3A_213 : memref<400x64xf32, #tpu.memory_space<vmem>>) dst(%dma_wait3A_209 : memref<400x64xf32, #tpu.memory_space<hbm>>)
      %dma_wait3A_214 = arith.constant 0 : i32
      %dma_wait3A_215 = arith.constant 0 : i32
      %dma_wait3A_216 = tpu.memref_slice %arg8[%select_n3A_145, %dma_wait3A_214, %dma_wait3A_215] : memref<2x400x64xf32, #tpu.memory_space<vmem>> -> memref<1x128x64xf32, #tpu.memory_space<vmem>>
      %dma_wait3A_217 = tpu.memref_squeeze %dma_wait3A_216 : memref<1x128x64xf32, #tpu.memory_space<vmem>> -> memref<128x64xf32, #tpu.memory_space<vmem>>
      %dma_wait3A_218 = arith.constant 0 : i32
      %dma_wait3A_219 = tpu.memref_slice %arg6[%add3A_149, %dma_wait3A_218] : memref<128x128xi32, #tpu.memory_space<vmem>> -> memref<1x128xi32, #tpu.memory_space<vmem>>
      %dma_wait3A_220 = tpu.memref_squeeze %dma_wait3A_219 : memref<1x128xi32, #tpu.memory_space<vmem>> -> memref<128xi32, #tpu.memory_space<vmem>>
      %dma_wait3A_221 = arith.constant 0 : i32
      %dma_wait3A_222 = arith.constant 0 : i32
      %dma_wait3A_223 = tpu.memref_slice %arg4[%dma_wait3A_221, %dma_wait3A_222] : memref<1000000x64xf32, #tpu.memory_space<hbm>> -> memref<1000000x64xf32, #tpu.memory_space<hbm>>
      tpu.wait_indirect_dma semaphore(%arg9 : memref<!tpu.dma_semaphore, #tpu.memory_space<semaphore_mem>>) src(%dma_wait3A_223 : memref<1000000x64xf32, #tpu.memory_space<hbm>>) dst(%dma_wait3A_217 : memref<128x64xf32, #tpu.memory_space<vmem>>)
      %dma_wait3A_224 = arith.constant 128 : i32
      %dma_wait3A_225 = arith.constant 0 : i32
      %dma_wait3A_226 = tpu.memref_slice %arg8[%select_n3A_145, %dma_wait3A_224, %dma_wait3A_225] : memref<2x400x64xf32, #tpu.memory_space<vmem>> -> memref<1x72x64xf32, #tpu.memory_space<vmem>>
      %dma_wait3A_227 = tpu.memref_squeeze %dma_wait3A_226 : memref<1x72x64xf32, #tpu.memory_space<vmem>> -> memref<72x64xf32, #tpu.memory_space<vmem>>
      %dma_wait3A_228 = arith.constant 0 : i32
      %dma_wait3A_229 = tpu.memref_slice %arg7[%add3A_149, %dma_wait3A_228] : memref<128x128xi32, #tpu.memory_space<vmem>> -> memref<1x72xi32, #tpu.memory_space<vmem>>
      %dma_wait3A_230 = tpu.memref_squeeze %dma_wait3A_229 : memref<1x72xi32, #tpu.memory_space<vmem>> -> memref<72xi32, #tpu.memory_space<vmem>>
      %dma_wait3A_231 = arith.constant 0 : i32
      %dma_wait3A_232 = arith.constant 0 : i32
      %dma_wait3A_233 = tpu.memref_slice %arg4[%dma_wait3A_231, %dma_wait3A_232] : memref<1000000x64xf32, #tpu.memory_space<hbm>> -> memref<1000000x64xf32, #tpu.memory_space<hbm>>
      tpu.wait_indirect_dma semaphore(%arg9 : memref<!tpu.dma_semaphore, #tpu.memory_space<semaphore_mem>>) src(%dma_wait3A_233 : memref<1000000x64xf32, #tpu.memory_space<hbm>>) dst(%dma_wait3A_227 : memref<72x64xf32, #tpu.memory_space<vmem>>)
      %dma_wait3A_234 = arith.constant 200 : i32
      %dma_wait3A_235 = arith.constant 0 : i32
      %dma_wait3A_236 = tpu.memref_slice %arg8[%select_n3A_145, %dma_wait3A_234, %dma_wait3A_235] : memref<2x400x64xf32, #tpu.memory_space<vmem>> -> memref<1x128x64xf32, #tpu.memory_space<vmem>>
      %dma_wait3A_237 = tpu.memref_squeeze %dma_wait3A_236 : memref<1x128x64xf32, #tpu.memory_space<vmem>> -> memref<128x64xf32, #tpu.memory_space<vmem>>
      %dma_wait3A_238 = arith.constant 0 : i32
      %dma_wait3A_239 = tpu.memref_slice %arg6[%add3A_173, %dma_wait3A_238] : memref<128x128xi32, #tpu.memory_space<vmem>> -> memref<1x128xi32, #tpu.memory_space<vmem>>
      %dma_wait3A_240 = tpu.memref_squeeze %dma_wait3A_239 : memref<1x128xi32, #tpu.memory_space<vmem>> -> memref<128xi32, #tpu.memory_space<vmem>>
      %dma_wait3A_241 = arith.constant 0 : i32
      %dma_wait3A_242 = arith.constant 0 : i32
      %dma_wait3A_243 = tpu.memref_slice %arg4[%dma_wait3A_241, %dma_wait3A_242] : memref<1000000x64xf32, #tpu.memory_space<hbm>> -> memref<1000000x64xf32, #tpu.memory_space<hbm>>
      tpu.wait_indirect_dma semaphore(%arg9 : memref<!tpu.dma_semaphore, #tpu.memory_space<semaphore_mem>>) src(%dma_wait3A_243 : memref<1000000x64xf32, #tpu.memory_space<hbm>>) dst(%dma_wait3A_237 : memref<128x64xf32, #tpu.memory_space<vmem>>)
      %dma_wait3A_244 = arith.constant 328 : i32
      %dma_wait3A_245 = arith.constant 0 : i32
      %dma_wait3A_246 = tpu.memref_slice %arg8[%select_n3A_145, %dma_wait3A_244, %dma_wait3A_245] : memref<2x400x64xf32, #tpu.memory_space<vmem>> -> memref<1x72x64xf32, #tpu.memory_space<vmem>>
      %dma_wait3A_247 = tpu.memref_squeeze %dma_wait3A_246 : memref<1x72x64xf32, #tpu.memory_space<vmem>> -> memref<72x64xf32, #tpu.memory_space<vmem>>
      %dma_wait3A_248 = arith.constant 0 : i32
      %dma_wait3A_249 = tpu.memref_slice %arg7[%add3A_173, %dma_wait3A_248] : memref<128x128xi32, #tpu.memory_space<vmem>> -> memref<1x72xi32, #tpu.memory_space<vmem>>
      %dma_wait3A_250 = tpu.memref_squeeze %dma_wait3A_249 : memref<1x72xi32, #tpu.memory_space<vmem>> -> memref<72xi32, #tpu.memory_space<vmem>>
      %dma_wait3A_251 = arith.constant 0 : i32
      %dma_wait3A_252 = arith.constant 0 : i32
      %dma_wait3A_253 = tpu.memref_slice %arg4[%dma_wait3A_251, %dma_wait3A_252] : memref<1000000x64xf32, #tpu.memory_space<hbm>> -> memref<1000000x64xf32, #tpu.memory_space<hbm>>
      tpu.wait_indirect_dma semaphore(%arg9 : memref<!tpu.dma_semaphore, #tpu.memory_space<semaphore_mem>>) src(%dma_wait3A_253 : memref<1000000x64xf32, #tpu.memory_space<hbm>>) dst(%dma_wait3A_247 : memref<72x64xf32, #tpu.memory_space<vmem>>)
      %mul3A_254 = arith.constant 2 : i32
      %mul3A_255 = arith.muli %scan3A_136, %mul3A_254 : i32
      %mul3A_256 = arith.constant 200 : i32
      %mul3A_257 = arith.muli %mul3A_255, %mul3A_256 : i32
      %add3A_258 = arith.addi %mul3A_6, %mul3A_257 : i32
      %dma_start3A_259 = arith.constant 0 : i32
      %dma_start3A_260 = arith.constant 0 : i32
      %dma_start3A_261 = tpu.memref_slice %arg8[%select_n3A_145, %dma_start3A_259, %dma_start3A_260] : memref<2x400x64xf32, #tpu.memory_space<vmem>> -> memref<1x400x64xf32, #tpu.memory_space<vmem>>
      %dma_start3A_262 = tpu.memref_squeeze %dma_start3A_261 : memref<1x400x64xf32, #tpu.memory_space<vmem>> -> memref<400x64xf32, #tpu.memory_space<vmem>>
      %dma_start3A_263 = arith.constant 0 : i32
      %dma_start3A_264 = tpu.memref_slice %arg5[%add3A_258, %dma_start3A_263] : memref<819200x128xf32, #tpu.memory_space<hbm>> -> memref<400x64xf32, #tpu.memory_space<hbm>>
      %dma_start3A_265 = arith.constant 0 : i32
      %dma_start3A_266 = tpu.memref_slice %arg5[%add3A_258, %dma_start3A_265] : memref<819200x128xf32, #tpu.memory_space<hbm>> -> memref<400x64xf32, #tpu.memory_space<hbm>>
      %dma_start3A_267 = arith.constant 0 : i32
      %dma_start3A_268 = arith.constant 0 : i32
      %dma_start3A_269 = tpu.memref_slice %arg8[%select_n3A_145, %dma_start3A_267, %dma_start3A_268] : memref<2x400x64xf32, #tpu.memory_space<vmem>> -> memref<1x400x64xf32, #tpu.memory_space<vmem>>
      %dma_start3A_270 = tpu.memref_squeeze %dma_start3A_269 : memref<1x400x64xf32, #tpu.memory_space<vmem>> -> memref<400x64xf32, #tpu.memory_space<vmem>>
      tpu.enqueue_dma source(%dma_start3A_270 : memref<400x64xf32, #tpu.memory_space<vmem>>) target(%dma_start3A_266 : memref<400x64xf32, #tpu.memory_space<hbm>>) target_semaphore(%arg10 : memref<!tpu.dma_semaphore, #tpu.memory_space<semaphore_mem>>)
    }
    %scan3A_120 = arith.constant 63 : i32
    %add3A_121 = arith.constant 25200 : i32
    %add3A_122 = arith.addi %mul3A_6, %add3A_121 : i32
    %dma_wait3A_123 = arith.constant 1 : i32
    %dma_wait3A_124 = arith.constant 0 : i32
    %dma_wait3A_125 = arith.constant 0 : i32
    %dma_wait3A_126 = tpu.memref_slice %arg8[%dma_wait3A_123, %dma_wait3A_124, %dma_wait3A_125] : memref<2x400x64xf32, #tpu.memory_space<vmem>> -> memref<1x400x64xf32, #tpu.memory_space<vmem>>
    %dma_wait3A_127 = tpu.memref_squeeze %dma_wait3A_126 : memref<1x400x64xf32, #tpu.memory_space<vmem>> -> memref<400x64xf32, #tpu.memory_space<vmem>>
    %dma_wait3A_128 = arith.constant 0 : i32
    %dma_wait3A_129 = tpu.memref_slice %arg5[%add3A_122, %dma_wait3A_128] : memref<819200x128xf32, #tpu.memory_space<hbm>> -> memref<400x64xf32, #tpu.memory_space<hbm>>
    %dma_wait3A_130 = arith.constant 0 : i32
    %dma_wait3A_131 = tpu.memref_slice %arg5[%add3A_122, %dma_wait3A_130] : memref<819200x128xf32, #tpu.memory_space<hbm>> -> memref<400x64xf32, #tpu.memory_space<hbm>>
    %dma_wait3A_132 = arith.constant 0 : i32
    %dma_wait3A_133 = arith.constant 0 : i32
    %dma_wait3A_134 = tpu.memref_slice %arg8[%dma_wait3A_123, %dma_wait3A_132, %dma_wait3A_133] : memref<2x400x64xf32, #tpu.memory_space<vmem>> -> memref<1x400x64xf32, #tpu.memory_space<vmem>>
    %dma_wait3A_135 = tpu.memref_squeeze %dma_wait3A_134 : memref<1x400x64xf32, #tpu.memory_space<vmem>> -> memref<400x64xf32, #tpu.memory_space<vmem>>
    tpu.wait_dma2 semaphore(%arg10 : memref<!tpu.dma_semaphore, #tpu.memory_space<semaphore_mem>>) src(%dma_wait3A_135 : memref<400x64xf32, #tpu.memory_space<vmem>>) dst(%dma_wait3A_131 : memref<400x64xf32, #tpu.memory_space<hbm>>)
    return
  }
}

</mosaic_0001>

<sc_bundles>
// kernel: _gather_sc.3.cloned.1.call-start
scs
__scs_entry_jumppad:
0x0: {  	(pc) =	sbr.rel $0x88, $3  }
0x1: {  	(tag) =	ssettag $0x0;
	lr =	simm.s32 $0x1  }
0x2: {  	[smem:$0x3F9E] =	sst lr;
	_ =	strace $0xD0000000  }
0x3: {  	_ = 	snop  }
0x4: {  	_ = 	snop  }
0x5: {  	_ = 	snop  }
0x6: {  	_ = 	snop  }
0x7: {  	_ = 	snop  }
__scs_overlays_trampoline_lowered:
0x8: {  	[smem:$0x3FAD] =	sst s0  }
0x9: {  	[smem:$0x3FAE] =	sst s1  }
0xa: {  	[smem:$0x3FAF] =	sst s2  }
0xb: {  	[smem:$0x3FB0] =	sst s3  }
0xc: {  	[smem:$0x3FB1] =	sst s4  }
0xd: {  	[smem:$0x3FB2] =	sst s5  }
0xe: {  	[smem:$0x3FB3] =	sst s6  }
0xf: {  	[smem:$0x3FB4] =	sst s7  }
0x10: {  	[smem:$0x3FB5] =	sst s8  }
0x11: {  	[smem:$0x3FB6] =	sst s9;
	s0 =	simm.s32 @!p0 $0x0  }
0x12: {  	s1 =	sld [smem:$0x3F9C];
	s0 =	simm.s32 @p0 $0x1  }
0x13: {  	[smem:$0x3FB7] =	sst s0;
	s0 =	simm.s32 @!p1 $0x0  }
0x14: {  	s2 =	sld [smem:$0x3F9B];
	s0 =	simm.s32 @p1 $0x1  }
0x15: {  	[smem:$0x3FB8] =	sst s0;
	s0 =	simm.s32 @!p2 $0x0  }
0x16: {  	s3 =	sld [smem:$0x3FDB];
	s0 =	simm.s32 @p2 $0x1  }
0x17: {  	s4 =	simm.s32 $0x1BF5;
	[smem:$0x3FBA] =	sst s0  }
0x18: {  	s0 =	sld [smem:$0x3F9D];
	_ =	swait.ge [sflag:s4], $0x0  }
0x19: {  	s7 =	sld [smem:$0x3F9E]  }
0x1a: {  	s8 =	sadd.s32 $0xFFFFE003, lr  }
0x1b: {  	s9 =	sadd.s32 $0xFFFFFEF7, lr;
	s5 =	simm.s32 $0xFFFFFFFF;
	p2 =	slt.u32 s8, $0xFFFFF086  }
0x1c: {  	p1 =	slt.u32 s9, $0xF7A;
	s5 =	simm.s32 @!p2 $0x0  }
0x1d: {  	s5 =	simm.s32 @p1 $0x1;
	p0 =	seq.s32 s7, s2  }
0x1e: {  	s7 =	smul.u32 @!p0 $0xF7A, s2;
	p2 =	seq.s32 @!p0 s5, $0x0  }
0x1f: {  	s9 =	smul.u32 $0xF7A, s1;
	s8 =	simm.s32 @!p0 $0x1BF5;
	p2 =	por !p2, p0  }
0x20: {  	[sflag:s8] =	ssyncset.s32 @!p0 $0xFFFFF086;
	s6 =	sadd.s32 @!p0 s3, s7;
	s7 =	simm.s32 @!p0 $0x108  }
0x21: {  	s3 =	sadd.s32 s3, s9;
	s6 =	sadd.s32 @!p0 $0x88, s6;
	s7 =	simm.s32 @p2 $0x1082  }
0x22: {  	[simem:s7], [sflag:s8] =	dma.local @!p0 [hbm:s6], $0xF7A  }
0x23: {  	s9 =	sor.u32 $0xD0000000, s2;
	s6 =	simm.s32 $0x108;
	_ =	swait.ge @!p0 [sflag:s8], $0x0  }
0x24: {  	s3 =	sadd.s32 $0x88, s3;
	s6 =	simm.s32 @!p1 $0x1082;
	[sflag:s4] =	ssyncset.s32 $0xFFFFF086  }
0x25: {  	[simem:s6], [sflag:s4] =	dma.local [hbm:s3], $0xF7A  }
0x26: {  	[smem:$0x3F9E] =	sst s1;
	(tag) =	ssettag s2;
	_ =	strace s9  }
0x27: {  	s1 =	sld [smem:$0x3FAE]  }
0x28: {  	s2 =	sld [smem:$0x3FAF]  }
0x29: {  	s4 =	sld [smem:$0x3FB1]  }
0x2a: {  	p0 =	seq.s32 s5, $0x0;
	s5 =	sld [smem:$0x3FB2]  }
0x2b: {  	s6 =	sld [smem:$0x3FB3]  }
0x2c: {  	s7 =	sld [smem:$0x3FB4]  }
0x2d: {  	s3 =	simm.s32 $0x108;
	s8 =	sld [smem:$0x3FB5]  }
0x2e: {  	s3 =	simm.s32 @!p0 $0x1082;
	s9 =	sld [smem:$0x3FB6]  }
0x2f: {  	lr =	sadd.s32 s0, s3;
	s0 =	sld [smem:$0x3FAD]  }
0x30: {  	s3 =	sld [smem:$0x3FB0]  }
0x31: {  	[smem:$0x3FB9] =	sst s10  }
0x32: {  	s10 =	sld [smem:$0x3FB7];
	_ =	sdelay $0x3  }
0x33: {  	p0 =	seq.s32 s10, $0x1;
	s10 =	sld [smem:$0x3FB9];
	_ =	sdelay $0x3  }
0x34: {  	[smem:$0x3FB9] =	sst s10  }
0x35: {  	s10 =	sld [smem:$0x3FB8];
	_ =	sdelay $0x3  }
0x36: {  	p1 =	seq.s32 s10, $0x1;
	s10 =	sld [smem:$0x3FB9];
	_ =	sdelay $0x3  }
0x37: {  	[smem:$0x3FB9] =	sst s10  }
0x38: {  	s10 =	sld [smem:$0x3FBA]  }
0x39: {  	_ = 	snop;
	(pc) =	sbr.ind lr, $3  }
0x3a: {  	_ = 	snop  }
0x3b: {  	_ = 	snop  }
0x3c: {  	p2 =	seq.s32 s10, $0x1;
	s10 =	sld [smem:$0x3FB9]  }
0x3d: {  	_ =	shalt  }
0x3e: {  	_ =	shalt  }
0x3f: {  	_ =	shalt  }
0x40: {  	_ =	shalt  }
0x41: {  	_ =	shalt  }
0x42: {  	_ =	shalt  }
0x43: {  	_ =	shalt  }
0x44: {  	_ =	shalt  }
0x45: {  	_ =	shalt  }
0x46: {  	_ =	shalt  }
0x47: {  	_ =	shalt  }
0x48: {  	_ =	shalt  }
0x49: {  	_ =	shalt  }
0x4a: {  	_ =	shalt  }
0x4b: {  	_ =	shalt  }
0x4c: {  	_ =	shalt  }
0x4d: {  	_ =	shalt  }
0x4e: {  	_ =	shalt  }
0x4f: {  	_ =	shalt  }
0x50: {  	_ =	shalt  }
0x51: {  	_ =	shalt  }
0x52: {  	_ =	shalt  }
0x53: {  	_ =	shalt  }
0x54: {  	_ =	shalt  }
0x55: {  	_ =	shalt  }
0x56: {  	_ =	shalt  }
0x57: {  	_ =	shalt  }
0x58: {  	_ =	shalt  }
0x59: {  	_ =	shalt  }
0x5a: {  	_ =	shalt  }
0x5b: {  	_ =	shalt  }
0x5c: {  	_ =	shalt  }
0x5d: {  	_ =	shalt  }
0x5e: {  	_ =	shalt  }
0x5f: {  	_ =	shalt  }
0x60: {  	_ =	shalt  }
0x61: {  	_ =	shalt  }
0x62: {  	_ =	shalt  }
0x63: {  	_ =	shalt  }
0x64: {  	_ =	shalt  }
0x65: {  	_ =	shalt  }
0x66: {  	_ =	shalt  }
0x67: {  	_ =	shalt  }
0x68: {  	_ =	shalt  }
0x69: {  	_ =	shalt  }
0x6a: {  	_ =	shalt  }
0x6b: {  	_ =	shalt  }
0x6c: {  	_ =	shalt  }
0x6d: {  	_ =	shalt  }
0x6e: {  	_ =	shalt  }
0x6f: {  	_ =	shalt  }
0x70: {  	_ =	shalt  }
0x71: {  	_ =	shalt  }
0x72: {  	_ =	shalt  }
0x73: {  	_ =	shalt  }
0x74: {  	_ =	shalt  }
0x75: {  	_ =	shalt  }
0x76: {  	_ =	shalt  }
0x77: {  	_ =	shalt  }
0x78: {  	_ =	shalt  }
0x79: {  	_ =	shalt  }
0x7a: {  	_ =	shalt  }
0x7b: {  	_ =	shalt  }
0x7c: {  	_ =	shalt  }
0x7d: {  	_ =	shalt  }
0x7e: {  	_ =	shalt  }
0x7f: {  	_ =	shalt  }
0x80: {  	_ =	shalt  }
0x81: {  	_ =	shalt  }
0x82: {  	_ =	shalt  }
0x83: {  	_ =	shalt  }
0x84: {  	_ =	shalt  }
0x85: {  	_ =	shalt  }
0x86: {  	_ =	shalt  }
0x87: {  	_ =	shalt  }
.Lfunc_end0:
.L_simem_size_0:
called_computation_lowered:
.L_overlay_start_0:
0x88: {  	s2 =	sld [smem:$0x3FD9]  }
0x89: {  	s3 =	sld [smem:$0x3FFE];
	_ =	sdelay $0x1  }
0x8a: {  	s1 =	srdreg.scid  }
0x8b: {  	s0 =	sand.u32 $0x1, s1  }
0x8c: {  	s17 =	sshll.u32 s0, $0xA;
	s2 =	sadd.s32 s3, s2  }
0x8d: {  	s2 =	sadd.s32 s2, s17  }
0x8e: {  	[smem:$0x3FC5] =	sst s2  }
0x8f: {  	_ = 	snop  }
0x90: {  	s2 =	sld [smem:$0x3FC9]  }
0x91: {  	s18 =	sld [smem:$0x3FC8]  }
0x92: {  	s4 =	sld [smem:$0x3FD0];
	(tm) =	ssettm $0x1  }
0x93: {  	s5 =	sld [smem:$0x3FFB];
	_ =	sdelay $0x3  }
0x94: {  	_ =	strace s5  }
0x95: {  	s5 =	sld [smem:$0x3FFC];
	_ =	sdelay $0x3  }
0x96: {  	_ =	strace s5  }
0x97: {  	s5 =	sld [smem:$0x3FFD];
	_ =	sdelay $0x3  }
0x98: {  	_ =	strace s5  }
0x99: {  	_ =	strace $0x8FFFFFFF  }
0x9a: {  	s19 =	sld [smem:$0x3FDB];
	_ =	sdelay $0x1  }
0x9b: {  	s6 =	simm.s32 $_scs_section_size  }
0x9c: {  	s7 =	simm.s32 $_size__tile_overlayer_lowered;
	s8 =	simm.s32 $_tile_overlayer_lowered  }
0x9d: {  	s22 =	simm.s32 $0x1BFF;
	s21 =	sshll.u32 s8, $0x1;
	s5 =	sadd.s32 s6, s19  }
0x9e: {  	s9 =	simm.s32 $0x0;
	s20 =	sshll.u32 s7, $0x1;
	s7 =	sadd.s32 s21, s5  }
0x9f: {  	[timem:s9], [sflag:s22] =	dma.local [hbm:s7], s20  }
0xa0: {  	_ =	swait.ge [sflag:s22], s20  }
0xa1: {  	s6 =	ssub.s32 $0x0, s20;
	[sflag:s22] =	ssyncset.done $0x0  }
0xa2: {  	[sflag:s22] =	ssyncadd.s32 s6;
	_ =	sdelay $0x1  }
0xa3: {  	s23 =	simm.s32 $0x1B8B  }
0xa4: {  	_ =	swait.ge [sflag:s23], $0x1  }
0xa5: {  	[sflag:s23] =	ssyncset.done $0x0  }
0xa6: {  	s25 =	simm.s32 $0x1B8E;
	s24 =	sld [smem:$0x3FFE];
	[sflag:s23] =	ssyncadd.s32 $0xFFFFFFFF  }
0xa7: {  	s26 =	simm.s32 $execute0_lowered;
	[smem:$0x3FD2] =	sst s25  }
0xa8: {  	s7 =	sshll.u32 s26, $0x1;
	_ =	strace $0x80000046;
	[dreg:$0x1] =	wrdreg $0xFFFFFFFF  }
0xa9: {  	s28 =	simm.s32 $_size_execute0_lowered;
	s5 =	sadd.s32 s5, s7;
	[dreg:$0x0] =	wrdreg $0x0  }
0xaa: {  	s7 =	sshll.u32 s28, $0x1;
	[dreg:$0x2] =	wrdreg s5  }
0xab: {  	[dreg:$0x3] =	wrdreg s7  }
0xac: {  	[dreg:$0x4] =	wrdreg $0xC0  }
0xad: {  	_ =	task [dreg:s9], $0x5FFFF  }
0xae: {  	[dreg:$0x1] =	wrdreg $0xFFFFFFFF  }
0xaf: {  	[dreg:$0x0] =	wrdreg $0x60  }
0xb0: {  	[dreg:$0x2] =	wrdreg s2  }
0xb1: {  	[dreg:$0x3] =	wrdreg s18  }
0xb2: {  	[dreg:$0x4] =	wrdreg s24  }
0xb3: {  	[dreg:$0x5] =	wrdreg s4  }
0xb4: {  	[dreg:$0x6] =	wrdreg $0x9  }
0xb5: {  	_ =	task.clear_ibuf [dreg:s9], $0x7FFFF;
	_ =	strace $0x90000046  }
0xb6: {  	s29 =	simm.s32 $0x9;
	_ =	strace $0x80000048  }
0xb7: {  	_ =	swait.ge [sflag:s29], $0x1  }
0xb8: {  	[sflag:s29] =	ssyncadd.s32 $0xFFFFFFFF  }
0xb9: {  	_ =	strace $0x90000048  }
0xba: {  	_ =	sfence  }
0xbb: {  	s30 =	sld [smem:$0x0];
	_ =	sdelay $0x2  }
0xbc: {  	s31 =	sshll.u32 s1, $0xD;
	s1 =	sshrl.u32 s1, $0x2  }
0xbd: {  	s3 =	sand.u32 $0x4000, s31;
	s1 =	sadd.s32 s1, s30  }
0xbe: {  	s0 =	sor.u32 s3, s0;
	s1 =	sshll.u32 s1, $0x11  }
0xbf: {  	s0 =	sor.u32 s1, s0  }
0xc0: {  	s0 =	sadd.s32 $0x8F2B, s0  }
0xc1: {  	[sflag:s0] =	ssyncadd.remote.s32 $0x1  }
0xc2: {  	_ =	sfence.sel $0xFFFF  }
0xc3: {  	[dreg:$0x0] =	wrdreg $0xFFFFFFFF;
	(pc) =	sbr.abs _section_cstart, $3  }
0xc4: {  	[dreg:$0x1] =	wrdreg $0xFFFFFFFF  }
0xc5: {  	_ =	task.clear_ibuf [dreg:s9], $0x2FFFF;
	_ =	strace $0x9FFFFFFF  }
0xc6: {  	(tm) =	ssettm $0x7FFFFFFF  }
0xc7: {  	_ =	shalt  }
tec
execute0_lowered:
.L_overlay_start_1:
0x0: {  	(tag) =	ssettag $0x1  }
0x1: {  	s4 =	rddreg [dreg:$0x0]  }
0x2: {  	s5 =	rddreg [dreg:$0x1]  }
0x3: {  	s3 =	rddreg [dreg:$0x2]  }
0x4: {  	s7 =	rddreg [dreg:$0x3];
	s2 =	simm.s32 $0x0  }
0x5: {  	s6 =	srdreg.scid;
	s1 =	stileid.u32;
	s13 =	simm.s32 $0x48  }
0x6: {  	s14 =	simm.s32 $0xA000;
	s15 =	simm.s32 $0xB200;
	s16 =	simm.s32 $0x4080  }
0x7: {  	s17 =	simm.s32 $0xD200;
	s18 =	simm.s32 $0x40;
	s19 =	simm.s32 $0x2  }
0x8: {  	s20 =	simm.s32 $0x1;
	s21 =	simm.s32 $0x0;
	[smem:$0x7FF] =	sst s2  }
0x9: {  	s6 =	sand.u32 $0x1, s6;
	s8 =	smul.u32 $0xC800, s1;
	s10 =	sshll.u32 s1, $0x1  }
0xa: {  	s3 =	sadd.s32 $0xF42800, s3;
	s9 =	ssub.s32 $0x2, s6;
	s11 =	smul.u32 $0x6400, s6  }
0xb: {  	_ =	strace $0x80000047;
	s6 =	sor.u32 s6, s10;
	s12 =	sshrl.u32 s9, $0x1  }
0xc: {  	s10 =	sshll.u32 s6, $0xB;
	s6 =	smul.u32 $0x64000, s6;
	s8 =	sadd.s32 s11, s8  }
0xd: {  	s9 =	ssub.s32 s9, s12;
	s4 =	sadd.s32 s4, s10;
	s5 =	sadd.s32 s5, s10  }
0xe: {  	s10 =	simm.s32 $0x4000;
	s11 =	simm.s32 $0x80;
	s8 =	sshll.u32 s8, $0x4  }
0xf: {  	s12 =	simm.s32 $0x8000;
	s6 =	sadd.s32 s7, s6;
	s8 =	sadd.s32 s8, s7  }
0x10: {  	s7 =	smax.u32 s9, $0x1;
	s9 =	simm.s32 $0x3;
	s8 =	sadd.s32 $0x1900, s8  }
.LBB2_1:
0x11: {  	[tilespmem:s2], [sflag:$0x3] =	stream.linear.gather [hbm4b:s4+s2], $0x4000, $0x38;
	[tilespmem:$0x14800] =	vst v63  }
0x12: {  	_ =	swait.ge [sflag:s9], $0x4000  }
0x13: {  	[sflag:s9] =	ssyncset.done $0x0  }
0x14: {  	[sflag:s9] =	ssyncadd.s32 $0xFFFFC000  }
0x15: {  	[tilespmem:s10], [sflag:$0x3] =	stream.linear.gather [hbm4b:s5+s2], $0x4000, $0x38;
	[tilespmem:$0x14800] =	vst v63  }
0x16: {  	_ =	swait.ge [sflag:s9], $0x4000  }
0x17: {  	[sflag:s9] =	ssyncset.done $0x0  }
0x18: {  	[sflag:s9] =	ssyncadd.s32 $0xFFFFC000  }
0x19: {  	[tilespmem:s12], [sflag:$0x1] =	stream.indirect.gather [hbm4b:s3+s11], $0x40, s2, s11, $0xb8;
	[tilespmem:$0x14800] =	vst v63  }
0x1a: {  	_ = 	snop  }
0x1b: {  	[tilespmem:s14], [sflag:$0x1] =	stream.indirect.gather [hbm4b:s3+s13], $0x40, s10, s13, $0xb8;
	[tilespmem:$0x14800] =	vst v63  }
0x1c: {  	_ = 	snop  }
0x1d: {  	[tilespmem:s15], [sflag:$0x1] =	stream.indirect.gather [hbm4b:s3+s11], $0x40, s11, s11, $0xb8;
	[tilespmem:$0x14800] =	vst v63  }
0x1e: {  	_ = 	snop  }
0x1f: {  	[tilespmem:s17], [sflag:$0x1] =	stream.indirect.gather [hbm4b:s3+s13], $0x40, s16, s13, $0xb8;
	[tilespmem:$0x14800] =	vst v63  }
0x20: {  	_ =	swait.ge [sflag:s20], $0x2000  }
0x21: {  	[sflag:s20] =	ssyncset.done $0x0  }
0x22: {  	[sflag:s20] =	ssyncadd.s32 $0xFFFFE000  }
0x23: {  	_ =	swait.ge [sflag:s20], $0x1200  }
0x24: {  	[sflag:s20] =	ssyncset.done $0x0  }
0x25: {  	[sflag:s20] =	ssyncadd.s32 $0xFFFFEE00  }
0x26: {  	_ =	swait.ge [sflag:s20], $0x2000  }
0x27: {  	[sflag:s20] =	ssyncset.done $0x0  }
0x28: {  	[sflag:s20] =	ssyncadd.s32 $0xFFFFE000  }
0x29: {  	s22 =	sand.u32 $0x1, s20;
	_ =	swait.ge [sflag:s20], $0x1200  }
0x2a: {  	s23 =	simm.s32 $0x6400;
	p0 =	seq.s32 s22, $0x1;
	[sflag:s20] =	ssyncset.done $0x0  }
0x2b: {  	s23 =	simm.s32 @!p0 $0x0;
	[sflag:s20] =	ssyncadd.s32 $0xFFFFEE00  }
0x2c: {  	[hbm4b:s6+s18] =	stream.strided.scatter [tilespmem:s12], [sflag:$0x2], $0x6400, s11, s18, $0x38;
	[tilespmem:$0x14800] =	vst v63  }
0x2d: {  	s24 =	simm.s32 $0x100;
	s22 =	sor.u32 $0x8000, s23  }
0x2e: {  	[tilespmem:s22], [sflag:$0x1] =	stream.indirect.gather [hbm4b:s3+s11], $0x40, s24, s11, $0xb8;
	[tilespmem:$0x14800] =	vst v63  }
0x2f: {  	s25 =	simm.s32 $0x4100;
	s0 =	sadd.s32 $0xA000, s23  }
0x30: {  	[tilespmem:s0], [sflag:$0x1] =	stream.indirect.gather [hbm4b:s3+s13], $0x40, s25, s13, $0xb8;
	[tilespmem:$0x14800] =	vst v63  }
0x31: {  	s29 =	simm.s32 $0x180;
	s26 =	sadd.s32 $0xB200, s23  }
0x32: {  	[tilespmem:s26], [sflag:$0x1] =	stream.indirect.gather [hbm4b:s3+s11], $0x40, s29, s11, $0xb8;
	[tilespmem:$0x14800] =	vst v63  }
0x33: {  	s30 =	simm.s32 $0x4180;
	s23 =	sadd.s32 $0xD200, s23  }
0x34: {  	[tilespmem:s23], [sflag:$0x1] =	stream.indirect.gather [hbm4b:s3+s13], $0x40, s30, s13, $0xb8;
	[tilespmem:$0x14800] =	vst v63  }
0x35: {  	_ =	swait.ge [sflag:s19], $0x6400  }
0x36: {  	[sflag:s19] =	ssyncset.done $0x0  }
0x37: {  	[sflag:s19] =	ssyncadd.s32 $0xFFFF9C00  }
0x38: {  	_ =	swait.ge [sflag:s20], $0x2000  }
0x39: {  	[sflag:s20] =	ssyncset.done $0x0  }
0x3a: {  	[sflag:s20] =	ssyncadd.s32 $0xFFFFE000  }
0x3b: {  	_ =	swait.ge [sflag:s20], $0x1200  }
0x3c: {  	[sflag:s20] =	ssyncset.done $0x0  }
0x3d: {  	[sflag:s20] =	ssyncadd.s32 $0xFFFFEE00  }
0x3e: {  	_ =	swait.ge [sflag:s20], $0x2000  }
0x3f: {  	s25 =	simm.s32 $0x2;
	[sflag:s20] =	ssyncset.done $0x0  }
0x40: {  	s28 =	simm.s32 $0x800;
	s31 =	sand.u32 $0x1, s25;
	[sflag:s20] =	ssyncadd.s32 $0xFFFFE000  }
0x41: {  	s24 =	simm.s32 $0x400;
	p1 =	seq.s32 s31, $0x1;
	_ =	swait.ge [sflag:s20], $0x1200  }
0x42: {  	s26 =	smov.u32 s8;
	s23 =	sadd.s32 $0x1900, s8;
	[sflag:s20] =	ssyncset.done $0x0  }
.LBB2_2:
0x43: {  	s29 =	simm.s32 $0x6400;
	s30 =	sshra.s32 s24, $0x2  }
0x44: {  	[sflag:s20] =	ssyncadd.s32 $0xFFFFEE00;
	s24 =	smov.u32 s28;
	s29 =	simm.s32 @!p1 $0x0  }
0x45: {  	[hbm4b:s26+s18] =	stream.strided.scatter [tilespmem:s22], [sflag:$0x2], $0x6400, s11, s18, $0x38;
	[tilespmem:$0x14800] =	vst v63  }
0x46: {  	s31 =	sadd.s32 $0x400, s28;
	s22 =	sor.u32 $0x8000, s29;
	s26 =	sadd.s32 $0x100, s30  }
0x47: {  	[tilespmem:s22], [sflag:$0x1] =	stream.indirect.gather [hbm4b:s3+s11], $0x40, s26, s11, $0xb8;
	[tilespmem:$0x14800] =	vst v63  }
0x48: {  	p0 =	sne.s32 s28, $0xF800;
	s28 =	sadd.s32 $0x4100, s30;
	s26 =	sadd.s32 $0xA000, s29  }
0x49: {  	[tilespmem:s26], [sflag:$0x1] =	stream.indirect.gather [hbm4b:s3+s13], $0x40, s28, s13, $0xb8;
	[tilespmem:$0x14800] =	vst v63  }
0x4a: {  	s0 =	sadd.s32 $0x180, s30;
	s28 =	sadd.s32 $0xB200, s29;
	s26 =	smov.u32 s23  }
0x4b: {  	[tilespmem:s28], [sflag:$0x1] =	stream.indirect.gather [hbm4b:s3+s11], $0x40, s0, s11, $0xb8;
	[tilespmem:$0x14800] =	vst v63  }
0x4c: {  	s0 =	sadd.s32 $0xD200, s29;
	s28 =	sadd.s32 $0x4180, s30  }
0x4d: {  	[tilespmem:s0], [sflag:$0x1] =	stream.indirect.gather [hbm4b:s3+s13], $0x40, s28, s13, $0xb8;
	[tilespmem:$0x14800] =	vst v63  }
0x4e: {  	_ =	swait.ge [sflag:s19], $0x6400  }
0x4f: {  	[sflag:s19] =	ssyncset.done $0x0  }
0x50: {  	[sflag:s19] =	ssyncadd.s32 $0xFFFF9C00  }
0x51: {  	_ =	swait.ge [sflag:s20], $0x2000  }
0x52: {  	[sflag:s20] =	ssyncset.done $0x0  }
0x53: {  	[sflag:s20] =	ssyncadd.s32 $0xFFFFE000  }
0x54: {  	_ =	swait.ge [sflag:s20], $0x1200  }
0x55: {  	[sflag:s20] =	ssyncset.done $0x0  }
0x56: {  	[sflag:s20] =	ssyncadd.s32 $0xFFFFEE00  }
.Ltmp0:
0x57: {  	_ =	swait.ge [sflag:s20], $0x2000;
	(pc) =	sbr.rel @p0 .LBB2_2-.Ltmp0, $4  }
0x58: {  	[sflag:s20] =	ssyncset.done $0x0  }
0x59: {  	s25 =	sadd.s32 $0x1, s25;
	[sflag:s20] =	ssyncadd.s32 $0xFFFFE000  }
0x5a: {  	s23 =	sadd.s32 $0x1900, s23;
	s0 =	sand.u32 $0x1, s25;
	_ =	swait.ge [sflag:s20], $0x1200  }
0x5b: {  	s28 =	smov.u32 s31;
	p1 =	seq.s32 s0, $0x1;
	[sflag:s20] =	ssyncset.done $0x0  }
0x5c: {  	s0 =	simm.s32 $0x6400  }
0x5d: {  	s24 =	sshra.s32 s24, $0x2;
	[sflag:s20] =	ssyncadd.s32 $0xFFFFEE00;
	s0 =	simm.s32 @!p1 $0x0  }
0x5e: {  	[hbm4b:s26+s18] =	stream.strided.scatter [tilespmem:s22], [sflag:$0x2], $0x6400, s11, s18, $0x38;
	[tilespmem:$0x14800] =	vst v63  }
0x5f: {  	s25 =	sadd.s32 $0x100, s24;
	s22 =	sor.u32 $0x8000, s0  }
0x60: {  	[tilespmem:s22], [sflag:$0x1] =	stream.indirect.gather [hbm4b:s3+s11], $0x40, s25, s11, $0xb8;
	[tilespmem:$0x14800] =	vst v63  }
0x61: {  	s29 =	sadd.s32 $0x4100, s24;
	s28 =	sadd.s32 $0xA000, s0  }
0x62: {  	[tilespmem:s28], [sflag:$0x1] =	stream.indirect.gather [hbm4b:s3+s13], $0x40, s29, s13, $0xb8;
	[tilespmem:$0x14800] =	vst v63  }
0x63: {  	s31 =	sadd.s32 $0x180, s24;
	s30 =	sadd.s32 $0xB200, s0  }
0x64: {  	[tilespmem:s30], [sflag:$0x1] =	stream.indirect.gather [hbm4b:s3+s11], $0x40, s31, s11, $0xb8;
	[tilespmem:$0x14800] =	vst v63  }
0x65: {  	s24 =	sadd.s32 $0x4180, s24;
	s0 =	sadd.s32 $0xD200, s0  }
0x66: {  	[tilespmem:s0], [sflag:$0x1] =	stream.indirect.gather [hbm4b:s3+s13], $0x40, s24, s13, $0xb8;
	[tilespmem:$0x14800] =	vst v63  }
0x67: {  	_ =	swait.ge [sflag:s19], $0x6400  }
0x68: {  	[sflag:s19] =	ssyncset.done $0x0  }
0x69: {  	[sflag:s19] =	ssyncadd.s32 $0xFFFF9C00  }
0x6a: {  	_ =	swait.ge [sflag:s20], $0x2000  }
0x6b: {  	[sflag:s20] =	ssyncset.done $0x0  }
0x6c: {  	[sflag:s20] =	ssyncadd.s32 $0xFFFFE000  }
0x6d: {  	_ =	swait.ge [sflag:s20], $0x1200  }
0x6e: {  	[sflag:s20] =	ssyncset.done $0x0  }
0x6f: {  	[sflag:s20] =	ssyncadd.s32 $0xFFFFEE00  }
0x70: {  	_ =	swait.ge [sflag:s20], $0x2000  }
0x71: {  	[sflag:s20] =	ssyncset.done $0x0  }
0x72: {  	[sflag:s20] =	ssyncadd.s32 $0xFFFFE000  }
0x73: {  	s21 =	sadd.s32 $0x1, s21;
	_ =	swait.ge [sflag:s20], $0x1200  }
0x74: {  	p0 =	sne.s32 s21, s7;
	[sflag:s20] =	ssyncset.done $0x0  }
.Ltmp1:
0x75: {  	[sflag:s20] =	ssyncadd.s32 $0xFFFFEE00;
	(pc) =	sbr.rel @p0 .LBB2_1-.Ltmp1, $4  }
0x76: {  	[hbm4b:s23+s18] =	stream.strided.scatter [tilespmem:s22], [sflag:$0x2], $0x6400, s11, s18, $0x38;
	[tilespmem:$0x14800] =	vst v63  }
0x77: {  	_ =	swait.ge [sflag:s19], $0x6400  }
0x78: {  	[sflag:s19] =	ssyncset.done $0x0  }
0x79: {  	[sflag:s19] =	ssyncadd.s32 $0xFFFF9C00  }
0x7a: {  	_ =	sfence.sel $0x180000  }
0x7b: {  	[bflag:$0x0] =	sbarrier.arrive $0xFFFF  }
0x7c: {  	_ =	strace $0x90000047  }
0x7d: {  	[bflag:$0x2] =	sbarrier.arrive $0xFFFF  }
0x7e: {  	p0 =	sne.s32 s1, $0x0;
	s0 =	rddreg [dreg:$0x4]  }
0x7f: {  	s0 =	sadd.s32 @!p0 $0x100000, s0  }
0x80: {  	[sflag:s0] =	ssyncadd.tile.s32 @!p0 $0x1;
	_ =	shalt  }
.Lfunc_end2:
_tile_overlayer_lowered:
.L_overlay_start_2:
0x81: {  	(tag) =	ssettag $0x2  }
0x82: {  	s0 =	rddreg [dreg:$0x0];
	s2 =	stileid.u32  }
0x83: {  	s1 =	rddreg [dreg:$0x1];
	p0 =	sne.s32 s2, $0x0  }
0x84: {  	s3 =	rddreg [dreg:$0x2];
	[bflag:$0x3] =	sbarrier.arrive $0xFFFF;
	s2 =	simm.s32 @!p0 $0x1C03  }
0x85: {  	[timem:s3], [sflag:s2] =	dma.local @!p0 [hbm:s0], s1  }
0x86: {  	s0 =	simm.s32 @!p0 $0x3  }
0x87: {  	_ =	swait.ge @!p0 [sflag:s0], s1  }
0x88: {  	s1 =	ssub.s32 @!p0 $0x0, s1;
	[sflag:s0] =	ssyncset.done @!p0 $0x0  }
0x89: {  	[sflag:s0] =	ssyncadd.s32 @!p0 s1  }
0x8a: {  	[bflag:$0x3] =	sbarrier.arrive $0xFFFF  }
0x8b: {  	_ =	shalt  }

</sc_bundles>
